<compile_context>
chip_gen: v7x
topology: tpu7x:2x2x1
jax: 0.10.2.dev20260603
libtpu: 0.0.44.dev20260713+nightly
codegen_flags: <defaults>
</compile_context>

<pallas_src>
import jax
import jax.numpy as jnp
from jax.experimental import pallas as pl
from jax.experimental.pallas import tpu as pltpu

_HI = jax.lax.Precision.HIGHEST


def _dot_t(x, w):
    return jax.lax.dot_general(x, w, (((1,), (1,)), ((), ())),
                               preferred_element_type=jnp.float32)


def _sigmoid(x):
    one = jnp.float32(1.0)
    return one / (one + jnp.exp(-x))


def _split3(x):
    hi = x.astype(jnp.bfloat16)
    r1 = x - hi.astype(jnp.float32)
    mid = r1.astype(jnp.bfloat16)
    r2 = r1 - mid.astype(jnp.float32)
    lo = r2.astype(jnp.bfloat16)
    return hi, mid, lo


def _onehot_exact(sel_bf, x, dims):
    hi, mid, lo = _split3(x)
    d = lambda p: jax.lax.dot_general(sel_bf, p, (dims, ((), ())),
                                      preferred_element_type=jnp.float32)
    return (d(hi) + d(mid)) + d(lo)


def _step_kernel(idx_ref, frame_ref, grid_ref, hin_ref, cin_ref,
                 wt_ref, bt_ref, win_ref, bin_ref,
                 wih_ref, bih_ref, whh_ref, bhh_ref, wout_ref, bout_ref,
                 out_ref, hout_ref, cout_ref, hc_ref):
    t = pl.program_id(0)

    @pl.when(t == 0)
    def _init():
        hc_ref[:, :hin_ref.shape[1]] = hin_ref[...]
        hc_ref[:, hin_ref.shape[1]:] = cin_ref[...]

    hc_prev = hc_ref[...]
    n = hc_prev.shape[0]
    hid = hc_prev.shape[1] // 2
    g2 = grid_ref.shape[2] // n

    idx = idx_ref[0]
    iota_v = jax.lax.broadcasted_iota(jnp.int32, (n, n), 0)
    iota_j = jax.lax.broadcasted_iota(jnp.int32, (n, n), 1)
    eqm = idx == iota_v
    eq_bf = eqm.astype(jnp.bfloat16)

    hc_cur = _onehot_exact(eq_bf, hc_prev, ((0,), (0,)))
    h_cur = hc_cur[:, :hid]
    c_cur = hc_cur[:, hid:]
    h_cur_bf = h_cur.astype(jnp.bfloat16)
    h_cur_bf_t = h_cur_bf.T

    big = jnp.dot(h_cur_bf_t, grid_ref[0],
                  preferred_element_type=jnp.float32).astype(jnp.bfloat16)
    soc_t = jnp.concatenate([big[:, g * n:(g + 1) * n] for g in range(g2)],
                            axis=0)

    soc_pre = jax.lax.dot_general(soc_t, wt_ref[...], (((0,), (1,)), ((), ())),
                                  preferred_element_type=jnp.float32)
    soc_emb = jnp.maximum(soc_pre + bt_ref[...], 0.0).astype(jnp.bfloat16)

    frame_bf = frame_ref[0].astype(jnp.bfloat16)
    in_pre = _dot_t(frame_bf, win_ref[...])
    in_emb = jnp.maximum(in_pre + bin_ref[...], 0.0).astype(jnp.bfloat16)

    concat = jnp.concatenate([in_emb, soc_emb], axis=1)
    gates = ((_dot_t(concat, wih_ref[...]) + bih_ref[...])
             + _dot_t(h_cur_bf, whh_ref[...])) + bhh_ref[...]
    gi = gates[:, :hid]
    gf = gates[:, hid:2 * hid]
    gg = gates[:, 2 * hid:3 * hid]
    go = gates[:, 3 * hid:]
    c_new = _sigmoid(gf) * c_cur + _sigmoid(gi) * jnp.tanh(gg)
    h_new = _sigmoid(go) * jnp.tanh(c_new)

    out = _dot_t(h_new, wout_ref[...]) + bout_ref[...]

    winner = jnp.max(jnp.where(eqm, iota_j, -1), axis=1, keepdims=True)
    covered = winner >= 0
    selm = iota_j == winner
    sel_bf = selm.astype(jnp.bfloat16)
    hc_new = jnp.concatenate([h_new, c_new], axis=1)
    hc_scat = _onehot_exact(sel_bf, hc_new, ((1,), (0,)))
    o_scat = jnp.dot(selm.astype(jnp.float32), out,
                     preferred_element_type=jnp.float32, precision=_HI)

    hc_next = jnp.where(covered, hc_scat, hc_prev)
    hc_ref[...] = hc_next
    out_ref[...] = o_scat[None]

    @pl.when(t == pl.num_programs(0) - 1)
    def _flush():
        hout_ref[...] = hc_next[:, :hid]
        cout_ref[...] = hc_next[:, hid:]


def kernel(input_data, grids, hidden_states, cell_states, seq_idxs, seq_len,
           num_nodes, W_in, b_in, W_t, b_t, W_ih, b_ih, W_hh, b_hh, W_out, b_out):
    T, N, IN = input_data.shape
    H = hidden_states.shape[1]
    G2 = grids.shape[3]
    E = W_in.shape[0]
    OUTS = W_out.shape[0]
    OP = 8

    grids_bf = (grids.astype(jnp.bfloat16)
                .transpose(0, 2, 3, 1)
                .reshape(T, N, G2 * N))
    idx3 = seq_idxs.reshape(T, 1, N).astype(jnp.int32)
    wout_p = jnp.zeros((OP, H), jnp.float32).at[:OUTS].set(W_out)
    bout_p = jnp.zeros((1, OP), jnp.float32).at[0, :OUTS].set(b_out)

    out_full, h_fin, c_fin = pl.pallas_call(
        _step_kernel,
        grid=(T,),
        in_specs=[
            pl.BlockSpec((1, 1, N), lambda t: (t, 0, 0)),
            pl.BlockSpec((1, N, IN), lambda t: (t, 0, 0)),
            pl.BlockSpec((1, N, G2 * N), lambda t: (t, 0, 0)),
            pl.BlockSpec((N, H), lambda t: (0, 0)),
            pl.BlockSpec((N, H), lambda t: (0, 0)),
            pl.BlockSpec((E, G2 * H), lambda t: (0, 0)),
            pl.BlockSpec((1, E), lambda t: (0, 0)),
            pl.BlockSpec((E, IN), lambda t: (0, 0)),
            pl.BlockSpec((1, E), lambda t: (0, 0)),
            pl.BlockSpec((4 * H, 2 * E), lambda t: (0, 0)),
            pl.BlockSpec((1, 4 * H), lambda t: (0, 0)),
            pl.BlockSpec((4 * H, H), lambda t: (0, 0)),
            pl.BlockSpec((1, 4 * H), lambda t: (0, 0)),
            pl.BlockSpec((OP, H), lambda t: (0, 0)),
            pl.BlockSpec((1, OP), lambda t: (0, 0)),
        ],
        out_specs=[
            pl.BlockSpec((1, N, OP), lambda t: (t, 0, 0)),
            pl.BlockSpec((N, H), lambda t: (0, 0)),
            pl.BlockSpec((N, H), lambda t: (0, 0)),
        ],
        out_shape=[
            jax.ShapeDtypeStruct((T, N, OP), jnp.float32),
            jax.ShapeDtypeStruct((N, H), jnp.float32),
            jax.ShapeDtypeStruct((N, H), jnp.float32),
        ],
        scratch_shapes=[
            pltpu.VMEM((N, 2 * H), jnp.float32),
        ],
        compiler_params=pltpu.CompilerParams(
            dimension_semantics=("arbitrary",)),
    )(idx3, input_data, grids_bf, hidden_states, cell_states,
      W_t, b_t.reshape(1, E), W_in, b_in.reshape(1, E),
      W_ih, b_ih.reshape(1, 4 * H), W_hh, b_hh.reshape(1, 4 * H),
      wout_p, bout_p)

    return out_full[:, :, :OUTS], h_fin, c_fin

# --- scband reference (transcript-rebuilt; emitter-appended) ---
"""Pipeline reference for scband-social-lstm-31808527794557 (READ-ONLY COPY).

The authoritative reference and input builder live on the scoring server;
editing this copy changes nothing except your own understanding.
"""

import jax, jax.numpy as jnp
import numpy as np

SEQ_LEN = 20
NUM_NODES = 256
INPUT_SIZE = 2
EMB = 64
HID = 128
GRID = 4
G2 = GRID * GRID
OUT = 5


def setup_inputs(seed: int = 0) -> dict:
    key = jax.random.key(seed)
    ks = jax.random.split(key, 16)
    s = 0.05
    inp = {}
    inp["input_data"] = jax.random.normal(ks[0], (SEQ_LEN, NUM_NODES, INPUT_SIZE), dtype=jnp.float32)
    inp["grids"] = jax.random.uniform(ks[1], (SEQ_LEN, NUM_NODES, NUM_NODES, G2), dtype=jnp.float32)
    inp["hidden_states"] = jax.random.normal(ks[2], (NUM_NODES, HID), dtype=jnp.float32) * s
    inp["cell_states"] = jax.random.normal(ks[3], (NUM_NODES, HID), dtype=jnp.float32) * s
    inp["seq_idxs"] = jax.random.randint(ks[4], (SEQ_LEN, NUM_NODES), 0, NUM_NODES)
    inp["seq_len"] = SEQ_LEN
    inp["num_nodes"] = NUM_NODES
    inp["W_in"] = jax.random.normal(ks[5], (EMB, INPUT_SIZE), dtype=jnp.float32) * s
    inp["b_in"] = jnp.zeros((EMB,), dtype=jnp.float32)
    inp["W_t"] = jax.random.normal(ks[6], (EMB, G2 * HID), dtype=jnp.float32) * s
    inp["b_t"] = jnp.zeros((EMB,), dtype=jnp.float32)
    inp["W_ih"] = jax.random.normal(ks[7], (4 * HID, 2 * EMB), dtype=jnp.float32) * s
    inp["b_ih"] = jnp.zeros((4 * HID,), dtype=jnp.float32)
    inp["W_hh"] = jax.random.normal(ks[8], (4 * HID, HID), dtype=jnp.float32) * s
    inp["b_hh"] = jnp.zeros((4 * HID,), dtype=jnp.float32)
    inp["W_out"] = jax.random.normal(ks[9], (OUT, HID), dtype=jnp.float32) * s
    inp["b_out"] = jnp.zeros((OUT,), dtype=jnp.float32)
    return inp


def reference(input_data, grids, hidden_states, cell_states, seq_idxs, seq_len, num_nodes, W_in, b_in, W_t, b_t, W_ih, b_ih, W_hh, b_hh, W_out, b_out):
    out_size = W_out.shape[0]
    hid = hidden_states.shape[1]
    seq_len_s = input_data.shape[0]
    num_nodes_s = input_data.shape[1]
    outputs = jnp.zeros((seq_len_s * num_nodes_s, out_size), dtype=jnp.float32)
    for t in range(seq_len_s):
        frame = input_data[t]
        grid = grids[t]
        idx = seq_idxs[t]
        h_cur = hidden_states[idx]
        c_cur = cell_states[idx]
        # social tensor: per node, grid[node].T @ h_cur  -> [n, G2, H]
        social = jnp.einsum('ijg,jh->igh', grid, h_cur).reshape(num_nodes_s, -1)
        in_emb = jax.nn.relu(frame @ W_in.T + b_in)
        soc_emb = jax.nn.relu(social @ W_t.T + b_t)
        concat = jnp.concatenate([in_emb, soc_emb], axis=1)
        gates = concat @ W_ih.T + b_ih + h_cur @ W_hh.T + b_hh
        i, f, g, o = jnp.split(gates, 4, axis=1)
        c_new = jax.nn.sigmoid(f) * c_cur + jax.nn.sigmoid(i) * jnp.tanh(g)
        h_new = jax.nn.sigmoid(o) * jnp.tanh(c_new)
        out = h_new @ W_out.T + b_out
        pos = t * num_nodes + idx
        outputs = outputs.at[pos].set(jnp.where(t < seq_len, out, outputs[pos]))
        hidden_states = hidden_states.at[idx].set(h_new)
        cell_states = cell_states.at[idx].set(c_new)
    return (outputs.reshape(seq_len_s, num_nodes_s, out_size), hidden_states, cell_states)

if __name__ == "__main__":
    import jax
    _d = setup_inputs()
    print(jax.jit(kernel)(*tuple(_d.values())))

</pallas_src>

<mosaic_0001>
module attributes {stable_mosaic.version = 14 : i64} {
  func.func @_step_kernel(%arg0: i32, %arg1: memref<1x1x256xi32, #tpu.memory_space<vmem>>, %arg2: memref<1x256x2xf32, #tpu.memory_space<vmem>>, %arg3: memref<1x256x4096xbf16, #tpu.memory_space<vmem>>, %arg4: memref<256x128xf32, #tpu.memory_space<vmem>>, %arg5: memref<256x128xf32, #tpu.memory_space<vmem>>, %arg6: memref<64x2048xf32, #tpu.memory_space<vmem>>, %arg7: memref<1x64xf32, #tpu.memory_space<vmem>>, %arg8: memref<64x2xf32, #tpu.memory_space<vmem>>, %arg9: memref<1x64xf32, #tpu.memory_space<vmem>>, %arg10: memref<512x128xf32, #tpu.memory_space<vmem>>, %arg11: memref<1x512xf32, #tpu.memory_space<vmem>>, %arg12: memref<512x128xf32, #tpu.memory_space<vmem>>, %arg13: memref<1x512xf32, #tpu.memory_space<vmem>>, %arg14: memref<8x128xf32, #tpu.memory_space<vmem>>, %arg15: memref<1x8xf32, #tpu.memory_space<vmem>>, %arg16: memref<1x256x8xf32, #tpu.memory_space<vmem>>, %arg17: memref<256x128xf32, #tpu.memory_space<vmem>>, %arg18: memref<256x128xf32, #tpu.memory_space<vmem>>, %arg19: memref<256x256xf32, #tpu.memory_space<vmem>>) attributes {dimension_semantics = [#tpu.dimension_semantics<arbitrary>], iteration_bounds = array<i64: 20>, scalar_prefetch = 0 : i64, scratch_operands = 1 : i64, tpu.core_type = #tpu.core_type<tc>, window_params = [{transform_indices = @transform_0, window_bounds = array<i64: 1, 1, 256>}, {transform_indices = @transform_1, window_bounds = array<i64: 1, 256, 2>}, {transform_indices = @transform_2, window_bounds = array<i64: 1, 256, 4096>}, {pipeline_mode = #tpu.pipeline_mode<synchronous>, transform_indices = @transform_3, window_bounds = array<i64: 256, 128>}, {pipeline_mode = #tpu.pipeline_mode<synchronous>, transform_indices = @transform_4, window_bounds = array<i64: 256, 128>}, {pipeline_mode = #tpu.pipeline_mode<synchronous>, transform_indices = @transform_5, window_bounds = array<i64: 64, 2048>}, {pipeline_mode = #tpu.pipeline_mode<synchronous>, transform_indices = @transform_6, window_bounds = array<i64: 1, 64>}, {pipeline_mode = #tpu.pipeline_mode<synchronous>, transform_indices = @transform_7, window_bounds = array<i64: 64, 2>}, {pipeline_mode = #tpu.pipeline_mode<synchronous>, transform_indices = @transform_8, window_bounds = array<i64: 1, 64>}, {pipeline_mode = #tpu.pipeline_mode<synchronous>, transform_indices = @transform_9, window_bounds = array<i64: 512, 128>}, {pipeline_mode = #tpu.pipeline_mode<synchronous>, transform_indices = @transform_10, window_bounds = array<i64: 1, 512>}, {pipeline_mode = #tpu.pipeline_mode<synchronous>, transform_indices = @transform_11, window_bounds = array<i64: 512, 128>}, {pipeline_mode = #tpu.pipeline_mode<synchronous>, transform_indices = @transform_12, window_bounds = array<i64: 1, 512>}, {pipeline_mode = #tpu.pipeline_mode<synchronous>, transform_indices = @transform_13, window_bounds = array<i64: 8, 128>}, {pipeline_mode = #tpu.pipeline_mode<synchronous>, transform_indices = @transform_14, window_bounds = array<i64: 1, 8>}, {transform_indices = @transform_15, window_bounds = array<i64: 1, 256, 8>}, {pipeline_mode = #tpu.pipeline_mode<synchronous>, transform_indices = @transform_16, window_bounds = array<i64: 256, 128>}, {pipeline_mode = #tpu.pipeline_mode<synchronous>, transform_indices = @transform_17, window_bounds = array<i64: 256, 128>}]} {
    %eq3A = arith.constant 0 : i32
    %eq3A_0 = arith.cmpi eq, %arg0, %eq3A : i32
    %convert_element_type3A = arith.extui %eq3A_0 : i1 to i32
    %cond3A = arith.constant 0 : i32
    %cond3A_1 = arith.cmpi ne, %convert_element_type3A, %cond3A : i32
    scf.if %cond3A_1 {
      %get3A_197 = arith.constant 0 : index
      %get3A_198 = arith.constant 0 : index
      %get3A_199 = vector.load %arg4[%get3A_197, %get3A_198] : memref<256x128xf32, #tpu.memory_space<vmem>>, vector<256x128xf32>
      %swap3A_200 = arith.constant 0 : index
      %swap3A_201 = arith.constant 0 : index
      %swap3A_202 = vector.load %arg19[%swap3A_200, %swap3A_201] : memref<256x256xf32, #tpu.memory_space<vmem>>, vector<256x128xf32>
      tpu.vector_store %arg19[%swap3A_200, %swap3A_201], %get3A_199 {strides = array<i32>} : memref<256x256xf32, #tpu.memory_space<vmem>>, vector<256x128xf32>,
      %get3A_203 = arith.constant 0 : index
      %get3A_204 = arith.constant 0 : index
      %get3A_205 = vector.load %arg5[%get3A_203, %get3A_204] : memref<256x128xf32, #tpu.memory_space<vmem>>, vector<256x128xf32>
      %swap3A_206 = arith.constant 0 : index
      %swap3A_207 = arith.constant 128 : index
      %swap3A_208 = vector.load %arg19[%swap3A_206, %swap3A_207] : memref<256x256xf32, #tpu.memory_space<vmem>>, vector<256x128xf32>
      tpu.vector_store %arg19[%swap3A_206, %swap3A_207], %get3A_205 {strides = array<i32>} : memref<256x256xf32, #tpu.memory_space<vmem>>, vector<256x128xf32>,
    } else {
    }
    %get3A = arith.constant 0 : index
    %get3A_2 = arith.constant 0 : index
    %get3A_3 = vector.load %arg19[%get3A, %get3A_2] : memref<256x256xf32, #tpu.memory_space<vmem>>, vector<256x256xf32>
    %get3A_4 = arith.constant 0 : index
    %get3A_5 = arith.constant 0 : index
    %get3A_6 = arith.constant 0 : index
    %get3A_7 = vector.load %arg1[%get3A_4, %get3A_5, %get3A_6] : memref<1x1x256xi32, #tpu.memory_space<vmem>>, vector<1x1x256xi32>
    %get3A_8 = vector.shape_cast %get3A_7 : vector<1x1x256xi32> to vector<1x256xi32>
    %iota3A = tpu.iota {dimensions = array<i32: 0>} : vector<256x256xi32>
    %iota3A_9 = tpu.iota {dimensions = array<i32: 1>} : vector<256x256xi32>
    %eq3A_10 = vector.broadcast %get3A_8 : vector<1x256xi32> to vector<256x256xi32>
    %eq3A_11 = arith.cmpi eq, %eq3A_10, %iota3A : vector<256x256xi32>
    %convert_element_type3A_12 = arith.extui %eq3A_11 : vector<256x256xi1> to vector<256x256xi32>
    %convert_element_type3A_13 = arith.sitofp %convert_element_type3A_12 : vector<256x256xi32> to vector<256x256xf32>
    %convert_element_type3A_14 = arith.truncf %convert_element_type3A_13 : vector<256x256xf32> to vector<256x256xbf16>
    %convert_element_type3A_15 = arith.truncf %get3A_3 : vector<256x256xf32> to vector<256x256xbf16>
    %convert_element_type3A_16 = arith.extf %convert_element_type3A_15 : vector<256x256xbf16> to vector<256x256xf32>
    %sub3A = arith.subf %get3A_3, %convert_element_type3A_16 : vector<256x256xf32>
    %convert_element_type3A_17 = arith.truncf %sub3A : vector<256x256xf32> to vector<256x256xbf16>
    %convert_element_type3A_18 = arith.extf %convert_element_type3A_17 : vector<256x256xbf16> to vector<256x256xf32>
    %sub3A_19 = arith.subf %sub3A, %convert_element_type3A_18 : vector<256x256xf32>
    %convert_element_type3A_20 = arith.truncf %sub3A_19 : vector<256x256xf32> to vector<256x256xbf16>
    %dot_general3A = arith.constant dense<0.000000e+00> : vector<256x256xf32>
    %dot_general3A_21 = tpu.matmul %convert_element_type3A_14, %convert_element_type3A_15, %dot_general3A {dimension_numbers = #tpu.dot_dimension_numbers<[0], [0], [1], [1], [0, 1, 1, 1], [], []>, transpose_lhs_hint = false} : vector<256x256xbf16>, vector<256x256xbf16>, vector<256x256xf32> -> vector<256x256xf32>
    %dot_general3A_22 = arith.constant dense<0.000000e+00> : vector<256x256xf32>
    %dot_general3A_23 = tpu.matmul %convert_element_type3A_14, %convert_element_type3A_17, %dot_general3A_22 {dimension_numbers = #tpu.dot_dimension_numbers<[0], [0], [1], [1], [0, 1, 1, 1], [], []>, transpose_lhs_hint = false} : vector<256x256xbf16>, vector<256x256xbf16>, vector<256x256xf32> -> vector<256x256xf32>
    %add3A = arith.addf %dot_general3A_21, %dot_general3A_23 : vector<256x256xf32>
    %dot_general3A_24 = arith.constant dense<0.000000e+00> : vector<256x256xf32>
    %dot_general3A_25 = tpu.matmul %convert_element_type3A_14, %convert_element_type3A_20, %dot_general3A_24 {dimension_numbers = #tpu.dot_dimension_numbers<[0], [0], [1], [1], [0, 1, 1, 1], [], []>, transpose_lhs_hint = false} : vector<256x256xbf16>, vector<256x256xbf16>, vector<256x256xf32> -> vector<256x256xf32>
    %add3A_26 = arith.addf %add3A, %dot_general3A_25 : vector<256x256xf32>
    %slice3A = vector.extract_strided_slice %add3A_26 {offsets = [0, 0], sizes = [256, 128], strides = [1, 1]} : vector<256x256xf32> to vector<256x128xf32>
    %slice3A_27 = vector.extract_strided_slice %add3A_26 {offsets = [0, 128], sizes = [256, 128], strides = [1, 1]} : vector<256x256xf32> to vector<256x128xf32>
    %convert_element_type3A_28 = arith.truncf %slice3A : vector<256x128xf32> to vector<256x128xbf16>
    %transpose3A = tpu.transpose %convert_element_type3A_28, [1, 0] : vector<256x128xbf16> -> vector<128x256xbf16>
    %get3A_29 = arith.constant 0 : index
    %get3A_30 = arith.constant 0 : index
    %get3A_31 = arith.constant 0 : index
    %get3A_32 = vector.load %arg3[%get3A_29, %get3A_30, %get3A_31] : memref<1x256x4096xbf16, #tpu.memory_space<vmem>>, vector<1x256x4096xbf16>
    %get3A_33 = vector.shape_cast %get3A_32 : vector<1x256x4096xbf16> to vector<256x4096xbf16>
    %dot_general3A_34 = arith.constant dense<0.000000e+00> : vector<128x4096xf32>
    %dot_general3A_35 = tpu.matmul %transpose3A, %get3A_33, %dot_general3A_34 {dimension_numbers = #tpu.dot_dimension_numbers<[1], [0], [0], [1], [0, 0, 1, 1], [], []>, transpose_lhs_hint = false} : vector<128x256xbf16>, vector<256x4096xbf16>, vector<128x4096xf32> -> vector<128x4096xf32>
    %convert_element_type3A_36 = arith.truncf %dot_general3A_35 : vector<128x4096xf32> to vector<128x4096xbf16>
    %slice3A_37 = vector.extract_strided_slice %convert_element_type3A_36 {offsets = [0, 0], sizes = [128, 256], strides = [1, 1]} : vector<128x4096xbf16> to vector<128x256xbf16>
    %slice3A_38 = vector.extract_strided_slice %convert_element_type3A_36 {offsets = [0, 256], sizes = [128, 256], strides = [1, 1]} : vector<128x4096xbf16> to vector<128x256xbf16>
    %slice3A_39 = vector.extract_strided_slice %convert_element_type3A_36 {offsets = [0, 512], sizes = [128, 256], strides = [1, 1]} : vector<128x4096xbf16> to vector<128x256xbf16>
    %slice3A_40 = vector.extract_strided_slice %convert_element_type3A_36 {offsets = [0, 768], sizes = [128, 256], strides = [1, 1]} : vector<128x4096xbf16> to vector<128x256xbf16>
    %slice3A_41 = vector.extract_strided_slice %convert_element_type3A_36 {offsets = [0, 1024], sizes = [128, 256], strides = [1, 1]} : vector<128x4096xbf16> to vector<128x256xbf16>
    %slice3A_42 = vector.extract_strided_slice %convert_element_type3A_36 {offsets = [0, 1280], sizes = [128, 256], strides = [1, 1]} : vector<128x4096xbf16> to vector<128x256xbf16>
    %slice3A_43 = vector.extract_strided_slice %convert_element_type3A_36 {offsets = [0, 1536], sizes = [128, 256], strides = [1, 1]} : vector<128x4096xbf16> to vector<128x256xbf16>
    %slice3A_44 = vector.extract_strided_slice %convert_element_type3A_36 {offsets = [0, 1792], sizes = [128, 256], strides = [1, 1]} : vector<128x4096xbf16> to vector<128x256xbf16>
    %slice3A_45 = vector.extract_strided_slice %convert_element_type3A_36 {offsets = [0, 2048], sizes = [128, 256], strides = [1, 1]} : vector<128x4096xbf16> to vector<128x256xbf16>
    %slice3A_46 = vector.extract_strided_slice %convert_element_type3A_36 {offsets = [0, 2304], sizes = [128, 256], strides = [1, 1]} : vector<128x4096xbf16> to vector<128x256xbf16>
    %slice3A_47 = vector.extract_strided_slice %convert_element_type3A_36 {offsets = [0, 2560], sizes = [128, 256], strides = [1, 1]} : vector<128x4096xbf16> to vector<128x256xbf16>
    %slice3A_48 = vector.extract_strided_slice %convert_element_type3A_36 {offsets = [0, 2816], sizes = [128, 256], strides = [1, 1]} : vector<128x4096xbf16> to vector<128x256xbf16>
    %slice3A_49 = vector.extract_strided_slice %convert_element_type3A_36 {offsets = [0, 3072], sizes = [128, 256], strides = [1, 1]} : vector<128x4096xbf16> to vector<128x256xbf16>
    %slice3A_50 = vector.extract_strided_slice %convert_element_type3A_36 {offsets = [0, 3328], sizes = [128, 256], strides = [1, 1]} : vector<128x4096xbf16> to vector<128x256xbf16>
    %slice3A_51 = vector.extract_strided_slice %convert_element_type3A_36 {offsets = [0, 3584], sizes = [128, 256], strides = [1, 1]} : vector<128x4096xbf16> to vector<128x256xbf16>
    %slice3A_52 = vector.extract_strided_slice %convert_element_type3A_36 {offsets = [0, 3840], sizes = [128, 256], strides = [1, 1]} : vector<128x4096xbf16> to vector<128x256xbf16>
    %concatenate3A = tpu.concatenate %slice3A_37, %slice3A_38, %slice3A_39, %slice3A_40, %slice3A_41, %slice3A_42, %slice3A_43, %slice3A_44, %slice3A_45, %slice3A_46, %slice3A_47, %slice3A_48, %slice3A_49, %slice3A_50, %slice3A_51, %slice3A_52 in 0 : vector<128x256xbf16>, vector<128x256xbf16>, vector<128x256xbf16>, vector<128x256xbf16>, vector<128x256xbf16>, vector<128x256xbf16>, vector<128x256xbf16>, vector<128x256xbf16>, vector<128x256xbf16>, vector<128x256xbf16>, vector<128x256xbf16>, vector<128x256xbf16>, vector<128x256xbf16>, vector<128x256xbf16>, vector<128x256xbf16>, vector<128x256xbf16> -> vector<2048x256xbf16>
    %get3A_53 = arith.constant 0 : index
    %get3A_54 = arith.constant 0 : index
    %get3A_55 = vector.load %arg6[%get3A_53, %get3A_54] : memref<64x2048xf32, #tpu.memory_space<vmem>>, vector<64x2048xf32>
    %dot_general3A_56 = arith.constant dense<0.000000e+00> : vector<256x64xf32>
    %dot_general3A_57 = tpu.matmul %concatenate3A, %get3A_55, %dot_general3A_56 {dimension_numbers = #tpu.dot_dimension_numbers<[0], [1], [1], [0], [0, 1, 1, 0], [], []>, transpose_lhs_hint = false} : vector<2048x256xbf16>, vector<64x2048xf32>, vector<256x64xf32> -> vector<256x64xf32>
    %get3A_58 = arith.constant 0 : index
    %get3A_59 = arith.constant 0 : index
    %get3A_60 = vector.load %arg7[%get3A_58, %get3A_59] : memref<1x64xf32, #tpu.memory_space<vmem>>, vector<1x64xf32>
    %add3A_61 = vector.broadcast %get3A_60 : vector<1x64xf32> to vector<256x64xf32>
    %add3A_62 = arith.addf %dot_general3A_57, %add3A_61 : vector<256x64xf32>
    %max3A = arith.constant 0.000000e+00 : f32
    %max3A_63 = vector.broadcast %max3A : f32 to vector<256x64xf32>
    %max3A_64 = arith.maximumf %add3A_62, %max3A_63 : vector<256x64xf32>
    %convert_element_type3A_65 = arith.truncf %max3A_64 : vector<256x64xf32> to vector<256x64xbf16>
    %get3A_66 = arith.constant 0 : index
    %get3A_67 = arith.constant 0 : index
    %get3A_68 = arith.constant 0 : index
    %get3A_69 = vector.load %arg2[%get3A_66, %get3A_67, %get3A_68] : memref<1x256x2xf32, #tpu.memory_space<vmem>>, vector<1x256x2xf32>
    %get3A_70 = vector.shape_cast %get3A_69 : vector<1x256x2xf32> to vector<256x2xf32>
    %convert_element_type3A_71 = arith.truncf %get3A_70 : vector<256x2xf32> to vector<256x2xbf16>
    %get3A_72 = arith.constant 0 : index
    %get3A_73 = arith.constant 0 : index
    %get3A_74 = vector.load %arg8[%get3A_72, %get3A_73] : memref<64x2xf32, #tpu.memory_space<vmem>>, vector<64x2xf32>
    %dot_general3A_75 = arith.constant dense<0.000000e+00> : vector<256x64xf32>
    %dot_general3A_76 = tpu.matmul %convert_element_type3A_71, %get3A_74, %dot_general3A_75 {dimension_numbers = #tpu.dot_dimension_numbers<[1], [1], [0], [0], [0, 0, 1, 0], [], []>, transpose_lhs_hint = false} : vector<256x2xbf16>, vector<64x2xf32>, vector<256x64xf32> -> vector<256x64xf32>
    %get3A_77 = arith.constant 0 : index
    %get3A_78 = arith.constant 0 : index
    %get3A_79 = vector.load %arg9[%get3A_77, %get3A_78] : memref<1x64xf32, #tpu.memory_space<vmem>>, vector<1x64xf32>
    %add3A_80 = vector.broadcast %get3A_79 : vector<1x64xf32> to vector<256x64xf32>
    %add3A_81 = arith.addf %dot_general3A_76, %add3A_80 : vector<256x64xf32>
    %max3A_82 = arith.constant 0.000000e+00 : f32
    %max3A_83 = vector.broadcast %max3A_82 : f32 to vector<256x64xf32>
    %max3A_84 = arith.maximumf %add3A_81, %max3A_83 : vector<256x64xf32>
    %convert_element_type3A_85 = arith.truncf %max3A_84 : vector<256x64xf32> to vector<256x64xbf16>
    %concatenate3A_86 = tpu.concatenate %convert_element_type3A_85, %convert_element_type3A_65 in 1 : vector<256x64xbf16>, vector<256x64xbf16> -> vector<256x128xbf16>
    %get3A_87 = arith.constant 0 : index
    %get3A_88 = arith.constant 0 : index
    %get3A_89 = vector.load %arg10[%get3A_87, %get3A_88] : memref<512x128xf32, #tpu.memory_space<vmem>>, vector<512x128xf32>
    %dot_general3A_90 = arith.constant dense<0.000000e+00> : vector<256x512xf32>
    %dot_general3A_91 = tpu.matmul %concatenate3A_86, %get3A_89, %dot_general3A_90 {dimension_numbers = #tpu.dot_dimension_numbers<[1], [1], [0], [0], [0, 0, 1, 0], [], []>, transpose_lhs_hint = false} : vector<256x128xbf16>, vector<512x128xf32>, vector<256x512xf32> -> vector<256x512xf32>
    %get3A_92 = arith.constant 0 : index
    %get3A_93 = arith.constant 0 : index
    %get3A_94 = vector.load %arg11[%get3A_92, %get3A_93] : memref<1x512xf32, #tpu.memory_space<vmem>>, vector<1x512xf32>
    %add3A_95 = vector.broadcast %get3A_94 : vector<1x512xf32> to vector<256x512xf32>
    %add3A_96 = arith.addf %dot_general3A_91, %add3A_95 : vector<256x512xf32>
    %get3A_97 = arith.constant 0 : index
    %get3A_98 = arith.constant 0 : index
    %get3A_99 = vector.load %arg12[%get3A_97, %get3A_98] : memref<512x128xf32, #tpu.memory_space<vmem>>, vector<512x128xf32>
    %dot_general3A_100 = arith.constant dense<0.000000e+00> : vector<256x512xf32>
    %dot_general3A_101 = tpu.matmul %convert_element_type3A_28, %get3A_99, %dot_general3A_100 {dimension_numbers = #tpu.dot_dimension_numbers<[1], [1], [0], [0], [0, 0, 1, 0], [], []>, transpose_lhs_hint = false} : vector<256x128xbf16>, vector<512x128xf32>, vector<256x512xf32> -> vector<256x512xf32>
    %add3A_102 = arith.addf %add3A_96, %dot_general3A_101 : vector<256x512xf32>
    %get3A_103 = arith.constant 0 : index
    %get3A_104 = arith.constant 0 : index
    %get3A_105 = vector.load %arg13[%get3A_103, %get3A_104] : memref<1x512xf32, #tpu.memory_space<vmem>>, vector<1x512xf32>
    %add3A_106 = vector.broadcast %get3A_105 : vector<1x512xf32> to vector<256x512xf32>
    %add3A_107 = arith.addf %add3A_102, %add3A_106 : vector<256x512xf32>
    %slice3A_108 = vector.extract_strided_slice %add3A_107 {offsets = [0, 0], sizes = [256, 128], strides = [1, 1]} : vector<256x512xf32> to vector<256x128xf32>
    %slice3A_109 = vector.extract_strided_slice %add3A_107 {offsets = [0, 128], sizes = [256, 128], strides = [1, 1]} : vector<256x512xf32> to vector<256x128xf32>
    %slice3A_110 = vector.extract_strided_slice %add3A_107 {offsets = [0, 256], sizes = [256, 128], strides = [1, 1]} : vector<256x512xf32> to vector<256x128xf32>
    %slice3A_111 = vector.extract_strided_slice %add3A_107 {offsets = [0, 384], sizes = [256, 128], strides = [1, 1]} : vector<256x512xf32> to vector<256x128xf32>
    %neg3A = arith.constant 0.000000e+00 : f32
    %neg3A_112 = vector.broadcast %neg3A : f32 to vector<256x128xf32>
    %neg3A_113 = arith.subf %neg3A_112, %slice3A_109 : vector<256x128xf32>
    %exp3A = math.exp %neg3A_113 : vector<256x128xf32>
    %add3A_114 = arith.constant 1.000000e+00 : f32
    %add3A_115 = vector.broadcast %add3A_114 : f32 to vector<256x128xf32>
    %add3A_116 = arith.addf %add3A_115, %exp3A : vector<256x128xf32>
    %div3A = arith.constant 1.000000e+00 : f32
    %div3A_117 = vector.broadcast %div3A : f32 to vector<256x128xf32>
    %div3A_118 = arith.divf %div3A_117, %add3A_116 : vector<256x128xf32>
    %mul3A = arith.mulf %div3A_118, %slice3A_27 : vector<256x128xf32>
    %neg3A_119 = arith.constant 0.000000e+00 : f32
    %neg3A_120 = vector.broadcast %neg3A_119 : f32 to vector<256x128xf32>
    %neg3A_121 = arith.subf %neg3A_120, %slice3A_108 : vector<256x128xf32>
    %exp3A_122 = math.exp %neg3A_121 : vector<256x128xf32>
    %add3A_123 = arith.constant 1.000000e+00 : f32
    %add3A_124 = vector.broadcast %add3A_123 : f32 to vector<256x128xf32>
    %add3A_125 = arith.addf %add3A_124, %exp3A_122 : vector<256x128xf32>
    %div3A_126 = arith.constant 1.000000e+00 : f32
    %div3A_127 = vector.broadcast %div3A_126 : f32 to vector<256x128xf32>
    %div3A_128 = arith.divf %div3A_127, %add3A_125 : vector<256x128xf32>
    %tanh3A = math.tanh %slice3A_110 : vector<256x128xf32>
    %mul3A_129 = arith.mulf %div3A_128, %tanh3A : vector<256x128xf32>
    %add3A_130 = arith.addf %mul3A, %mul3A_129 : vector<256x128xf32>
    %neg3A_131 = arith.constant 0.000000e+00 : f32
    %neg3A_132 = vector.broadcast %neg3A_131 : f32 to vector<256x128xf32>
    %neg3A_133 = arith.subf %neg3A_132, %slice3A_111 : vector<256x128xf32>
    %exp3A_134 = math.exp %neg3A_133 : vector<256x128xf32>
    %add3A_135 = arith.constant 1.000000e+00 : f32
    %add3A_136 = vector.broadcast %add3A_135 : f32 to vector<256x128xf32>
    %add3A_137 = arith.addf %add3A_136, %exp3A_134 : vector<256x128xf32>
    %div3A_138 = arith.constant 1.000000e+00 : f32
    %div3A_139 = vector.broadcast %div3A_138 : f32 to vector<256x128xf32>
    %div3A_140 = arith.divf %div3A_139, %add3A_137 : vector<256x128xf32>
    %tanh3A_141 = math.tanh %add3A_130 : vector<256x128xf32>
    %mul3A_142 = arith.mulf %div3A_140, %tanh3A_141 : vector<256x128xf32>
    %get3A_143 = arith.constant 0 : index
    %get3A_144 = arith.constant 0 : index
    %get3A_145 = vector.load %arg14[%get3A_143, %get3A_144] : memref<8x128xf32, #tpu.memory_space<vmem>>, vector<8x128xf32>
    %dot_general3A_146 = arith.constant dense<0.000000e+00> : vector<256x8xf32>
    %dot_general3A_147 = tpu.matmul %mul3A_142, %get3A_145, %dot_general3A_146 {dimension_numbers = #tpu.dot_dimension_numbers<[1], [1], [0], [0], [0, 0, 1, 0], [], []>, transpose_lhs_hint = false} : vector<256x128xf32>, vector<8x128xf32>, vector<256x8xf32> -> vector<256x8xf32>
    %get3A_148 = arith.constant 0 : index
    %get3A_149 = arith.constant 0 : index
    %get3A_150 = vector.load %arg15[%get3A_148, %get3A_149] : memref<1x8xf32, #tpu.memory_space<vmem>>, vector<1x8xf32>
    %add3A_151 = vector.broadcast %get3A_150 : vector<1x8xf32> to vector<256x8xf32>
    %add3A_152 = arith.addf %dot_general3A_147, %add3A_151 : vector<256x8xf32>
    %jit3A = arith.constant -1 : i32
    %broadcast_in_dim3A = vector.broadcast %jit3A : i32 to vector<256x256xi32>
    %select_n3A = arith.select %eq3A_11, %iota3A_9, %broadcast_in_dim3A : vector<256x256xi1>, vector<256x256xi32>
    %reduce_max3A = arith.constant dense<-2147483648> : vector<256xi32>
    %reduce_max3A_153 = vector.multi_reduction <maxsi>, %select_n3A, %reduce_max3A [1] : vector<256x256xi32> to vector<256xi32>
    %broadcast_in_dim3A_154 = vector.shape_cast %reduce_max3A_153 : vector<256xi32> to vector<256x1xi32>
    %ge3A = arith.constant 0 : i32
    %ge3A_155 = vector.broadcast %ge3A : i32 to vector<256x1xi32>
    %ge3A_156 = arith.cmpi sge, %broadcast_in_dim3A_154, %ge3A_155 : vector<256x1xi32>
    %eq3A_157 = vector.broadcast %broadcast_in_dim3A_154 : vector<256x1xi32> to vector<256x256xi32>
    %eq3A_158 = arith.cmpi eq, %iota3A_9, %eq3A_157 : vector<256x256xi32>
    %convert_element_type3A_159 = arith.extui %eq3A_158 : vector<256x256xi1> to vector<256x256xi32>
    %convert_element_type3A_160 = arith.sitofp %convert_element_type3A_159 : vector<256x256xi32> to vector<256x256xf32>
    %convert_element_type3A_161 = arith.truncf %convert_element_type3A_160 : vector<256x256xf32> to vector<256x256xbf16>
    %concatenate3A_162 = tpu.concatenate %mul3A_142, %add3A_130 in 1 : vector<256x128xf32>, vector<256x128xf32> -> vector<256x256xf32>
    %convert_element_type3A_163 = arith.truncf %concatenate3A_162 : vector<256x256xf32> to vector<256x256xbf16>
    %convert_element_type3A_164 = arith.extf %convert_element_type3A_163 : vector<256x256xbf16> to vector<256x256xf32>
    %sub3A_165 = arith.subf %concatenate3A_162, %convert_element_type3A_164 : vector<256x256xf32>
    %convert_element_type3A_166 = arith.truncf %sub3A_165 : vector<256x256xf32> to vector<256x256xbf16>
    %convert_element_type3A_167 = arith.extf %convert_element_type3A_166 : vector<256x256xbf16> to vector<256x256xf32>
    %sub3A_168 = arith.subf %sub3A_165, %convert_element_type3A_167 : vector<256x256xf32>
    %convert_element_type3A_169 = arith.truncf %sub3A_168 : vector<256x256xf32> to vector<256x256xbf16>
    %dot_general3A_170 = arith.constant dense<0.000000e+00> : vector<256x256xf32>
    %dot_general3A_171 = tpu.matmul %convert_element_type3A_161, %convert_element_type3A_163, %dot_general3A_170 {dimension_numbers = #tpu.dot_dimension_numbers<[1], [0], [0], [1], [0, 0, 1, 1], [], []>, transpose_lhs_hint = false} : vector<256x256xbf16>, vector<256x256xbf16>, vector<256x256xf32> -> vector<256x256xf32>
    %dot_general3A_172 = arith.constant dense<0.000000e+00> : vector<256x256xf32>
    %dot_general3A_173 = tpu.matmul %convert_element_type3A_161, %convert_element_type3A_166, %dot_general3A_172 {dimension_numbers = #tpu.dot_dimension_numbers<[1], [0], [0], [1], [0, 0, 1, 1], [], []>, transpose_lhs_hint = false} : vector<256x256xbf16>, vector<256x256xbf16>, vector<256x256xf32> -> vector<256x256xf32>
    %add3A_174 = arith.addf %dot_general3A_171, %dot_general3A_173 : vector<256x256xf32>
    %dot_general3A_175 = arith.constant dense<0.000000e+00> : vector<256x256xf32>
    %dot_general3A_176 = tpu.matmul %convert_element_type3A_161, %convert_element_type3A_169, %dot_general3A_175 {dimension_numbers = #tpu.dot_dimension_numbers<[1], [0], [0], [1], [0, 0, 1, 1], [], []>, transpose_lhs_hint = false} : vector<256x256xbf16>, vector<256x256xbf16>, vector<256x256xf32> -> vector<256x256xf32>
    %add3A_177 = arith.addf %add3A_174, %dot_general3A_176 : vector<256x256xf32>
    %convert_element_type3A_178 = arith.extui %eq3A_158 : vector<256x256xi1> to vector<256x256xi32>
    %convert_element_type3A_179 = arith.sitofp %convert_element_type3A_178 : vector<256x256xi32> to vector<256x256xf32>
    %dot_general3A_180 = arith.constant dense<0.000000e+00> : vector<256x8xf32>
    %dot_general3A_181 = tpu.matmul %convert_element_type3A_179, %add3A_152, %dot_general3A_180 {dimension_numbers = #tpu.dot_dimension_numbers<[1], [0], [0], [1], [0, 0, 1, 1], [], []>, precision = #tpu.contract_precision<fp32>, transpose_lhs_hint = false} : vector<256x256xf32>, vector<256x8xf32>, vector<256x8xf32> -> vector<256x8xf32>
    %broadcast_in_dim3A_182 = vector.shape_cast %ge3A_156 : vector<256x1xi1> to vector<256x1xi1>
    %broadcast_in_dim3A_183 = vector.broadcast %broadcast_in_dim3A_182 : vector<256x1xi1> to vector<256x256xi1>
    %select_n3A_184 = arith.select %broadcast_in_dim3A_183, %add3A_177, %get3A_3 : vector<256x256xi1>, vector<256x256xf32>
    %swap3A = arith.constant 0 : index
    %swap3A_185 = arith.constant 0 : index
    %swap3A_186 = vector.load %arg19[%swap3A, %swap3A_185] : memref<256x256xf32, #tpu.memory_space<vmem>>, vector<256x256xf32>
    tpu.vector_store %arg19[%swap3A, %swap3A_185], %select_n3A_184 {strides = array<i32>} : memref<256x256xf32, #tpu.memory_space<vmem>>, vector<256x256xf32>,
    %broadcast_in_dim3A_187 = vector.shape_cast %dot_general3A_181 : vector<256x8xf32> to vector<1x256x8xf32>
    %swap3A_188 = arith.constant 0 : index
    %swap3A_189 = arith.constant 0 : index
    %swap3A_190 = arith.constant 0 : index
    %swap3A_191 = vector.load %arg16[%swap3A_188, %swap3A_189, %swap3A_190] : memref<1x256x8xf32, #tpu.memory_space<vmem>>, vector<1x256x8xf32>
    tpu.vector_store %arg16[%swap3A_188, %swap3A_189, %swap3A_190], %broadcast_in_dim3A_187 {strides = array<i32>} : memref<1x256x8xf32, #tpu.memory_space<vmem>>, vector<1x256x8xf32>,
    %eq3A_192 = arith.constant 19 : i32
    %eq3A_193 = arith.cmpi eq, %arg0, %eq3A_192 : i32
    %convert_element_type3A_194 = arith.extui %eq3A_193 : i1 to i32
    %cond3A_195 = arith.constant 0 : i32
    %cond3A_196 = arith.cmpi ne, %convert_element_type3A_194, %cond3A_195 : i32
    scf.if %cond3A_196 {
      %slice3A_197 = vector.extract_strided_slice %select_n3A_184 {offsets = [0, 0], sizes = [256, 128], strides = [1, 1]} : vector<256x256xf32> to vector<256x128xf32>
      %swap3A_198 = arith.constant 0 : index
      %swap3A_199 = arith.constant 0 : index
      %swap3A_200 = vector.load %arg17[%swap3A_198, %swap3A_199] : memref<256x128xf32, #tpu.memory_space<vmem>>, vector<256x128xf32>
      tpu.vector_store %arg17[%swap3A_198, %swap3A_199], %slice3A_197 {strides = array<i32>} : memref<256x128xf32, #tpu.memory_space<vmem>>, vector<256x128xf32>,
      %slice3A_201 = vector.extract_strided_slice %select_n3A_184 {offsets = [0, 128], sizes = [256, 128], strides = [1, 1]} : vector<256x256xf32> to vector<256x128xf32>
      %swap3A_202 = arith.constant 0 : index
      %swap3A_203 = arith.constant 0 : index
      %swap3A_204 = vector.load %arg18[%swap3A_202, %swap3A_203] : memref<256x128xf32, #tpu.memory_space<vmem>>, vector<256x128xf32>
      tpu.vector_store %arg18[%swap3A_202, %swap3A_203], %slice3A_201 {strides = array<i32>} : memref<256x128xf32, #tpu.memory_space<vmem>>, vector<256x128xf32>,
    } else {
    }
    return
  }
  func.func @transform_0(%arg0: i32) -> (i32, i32, i32) {
    %c0_i32 = arith.constant 0 : i32
    %c0_i32_0 = arith.constant 0 : i32
    %c0_i32_1 = arith.constant 0 : i32
    return %arg0, %c0_i32, %c0_i32_0 : i32, i32, i32
  }
  func.func @transform_1(%arg0: i32) -> (i32, i32, i32) {
    %c0_i32 = arith.constant 0 : i32
    %c0_i32_0 = arith.constant 0 : i32
    %c0_i32_1 = arith.constant 0 : i32
    return %arg0, %c0_i32, %c0_i32_0 : i32, i32, i32
  }
  func.func @transform_2(%arg0: i32) -> (i32, i32, i32) {
    %c0_i32 = arith.constant 0 : i32
    %c0_i32_0 = arith.constant 0 : i32
    %c0_i32_1 = arith.constant 0 : i32
    return %arg0, %c0_i32, %c0_i32_0 : i32, i32, i32
  }
  func.func @transform_3(%arg0: i32) -> (i32, i32) {
    %c0_i32 = arith.constant 0 : i32
    %c0_i32_0 = arith.constant 0 : i32
    %c0_i32_1 = arith.constant 0 : i32
    return %c0_i32, %c0_i32_0 : i32, i32
  }
  func.func @transform_4(%arg0: i32) -> (i32, i32) {
    %c0_i32 = arith.constant 0 : i32
    %c0_i32_0 = arith.constant 0 : i32
    %c0_i32_1 = arith.constant 0 : i32
    return %c0_i32, %c0_i32_0 : i32, i32
  }
  func.func @transform_5(%arg0: i32) -> (i32, i32) {
    %c0_i32 = arith.constant 0 : i32
    %c0_i32_0 = arith.constant 0 : i32
    %c0_i32_1 = arith.constant 0 : i32
    return %c0_i32, %c0_i32_0 : i32, i32
  }
  func.func @transform_6(%arg0: i32) -> (i32, i32) {
    %c0_i32 = arith.constant 0 : i32
    %c0_i32_0 = arith.constant 0 : i32
    %c0_i32_1 = arith.constant 0 : i32
    return %c0_i32, %c0_i32_0 : i32, i32
  }
  func.func @transform_7(%arg0: i32) -> (i32, i32) {
    %c0_i32 = arith.constant 0 : i32
    %c0_i32_0 = arith.constant 0 : i32
    %c0_i32_1 = arith.constant 0 : i32
    return %c0_i32, %c0_i32_0 : i32, i32
  }
  func.func @transform_8(%arg0: i32) -> (i32, i32) {
    %c0_i32 = arith.constant 0 : i32
    %c0_i32_0 = arith.constant 0 : i32
    %c0_i32_1 = arith.constant 0 : i32
    return %c0_i32, %c0_i32_0 : i32, i32
  }
  func.func @transform_9(%arg0: i32) -> (i32, i32) {
    %c0_i32 = arith.constant 0 : i32
    %c0_i32_0 = arith.constant 0 : i32
    %c0_i32_1 = arith.constant 0 : i32
    return %c0_i32, %c0_i32_0 : i32, i32
  }
  func.func @transform_10(%arg0: i32) -> (i32, i32) {
    %c0_i32 = arith.constant 0 : i32
    %c0_i32_0 = arith.constant 0 : i32
    %c0_i32_1 = arith.constant 0 : i32
    return %c0_i32, %c0_i32_0 : i32, i32
  }
  func.func @transform_11(%arg0: i32) -> (i32, i32) {
    %c0_i32 = arith.constant 0 : i32
    %c0_i32_0 = arith.constant 0 : i32
    %c0_i32_1 = arith.constant 0 : i32
    return %c0_i32, %c0_i32_0 : i32, i32
  }
  func.func @transform_12(%arg0: i32) -> (i32, i32) {
    %c0_i32 = arith.constant 0 : i32
    %c0_i32_0 = arith.constant 0 : i32
    %c0_i32_1 = arith.constant 0 : i32
    return %c0_i32, %c0_i32_0 : i32, i32
  }
  func.func @transform_13(%arg0: i32) -> (i32, i32) {
    %c0_i32 = arith.constant 0 : i32
    %c0_i32_0 = arith.constant 0 : i32
    %c0_i32_1 = arith.constant 0 : i32
    return %c0_i32, %c0_i32_0 : i32, i32
  }
  func.func @transform_14(%arg0: i32) -> (i32, i32) {
    %c0_i32 = arith.constant 0 : i32
    %c0_i32_0 = arith.constant 0 : i32
    %c0_i32_1 = arith.constant 0 : i32
    return %c0_i32, %c0_i32_0 : i32, i32
  }
  func.func @transform_15(%arg0: i32) -> (i32, i32, i32) {
    %c0_i32 = arith.constant 0 : i32
    %c0_i32_0 = arith.constant 0 : i32
    %c0_i32_1 = arith.constant 0 : i32
    return %arg0, %c0_i32, %c0_i32_0 : i32, i32, i32
  }
  func.func @transform_16(%arg0: i32) -> (i32, i32) {
    %c0_i32 = arith.constant 0 : i32
    %c0_i32_0 = arith.constant 0 : i32
    %c0_i32_1 = arith.constant 0 : i32
    return %c0_i32, %c0_i32_0 : i32, i32
  }
  func.func @transform_17(%arg0: i32) -> (i32, i32) {
    %c0_i32 = arith.constant 0 : i32
    %c0_i32_0 = arith.constant 0 : i32
    %c0_i32_1 = arith.constant 0 : i32
    return %c0_i32, %c0_i32_0 : i32, i32
  }
}

</mosaic_0001>

<sc_bundles>
// kernel: sparse-core-data-format-call.cloned.1.call-start
scs
called_computation_lowered:
.L_overlay_start_0:
0x0: {  	s1 =	sld [smem:$0x3FD9]  }
0x1: {  	s2 =	sld [smem:$0x3FFE];
	_ =	sdelay $0x1  }
0x2: {  	s3 =	srdreg.scid  }
0x3: {  	s0 =	sand.u32 $0x1, s3  }
0x4: {  	s17 =	sshll.u32 s0, $0xA;
	s1 =	sadd.s32 s2, s1  }
0x5: {  	s1 =	sadd.s32 s1, s17  }
0x6: {  	[smem:$0x3FB9] =	sst s1  }
0x7: {  	_ = 	snop  }
0x8: {  	(tm) =	ssettm $0x1  }
0x9: {  	s18 =	sld [smem:$0x3FFB];
	_ =	sdelay $0x3  }
0xa: {  	_ =	strace s18  }
0xb: {  	s1 =	sld [smem:$0x3FFC];
	_ =	sdelay $0x3  }
0xc: {  	_ =	strace s1  }
0xd: {  	s1 =	sld [smem:$0x3FFD];
	_ =	sdelay $0x3  }
0xe: {  	_ =	strace s1  }
0xf: {  	_ =	strace $0x8FFFFFFF  }
0x10: {  	s19 =	sld [smem:$0x3FDB];
	_ =	sdelay $0x1  }
0x11: {  	s20 =	simm.s32 $_scs_section_size  }
0x12: {  	s4 =	simm.s32 $_size__tile_overlayer_lowered;
	s5 =	simm.s32 $_tile_overlayer_lowered  }
0x13: {  	s23 =	simm.s32 $0x1BFF;
	s22 =	sshll.u32 s5, $0x1;
	s1 =	sadd.s32 s20, s19  }
0x14: {  	s6 =	simm.s32 $0x0;
	s21 =	sshll.u32 s4, $0x1;
	s4 =	sadd.s32 s22, s1  }
0x15: {  	[timem:s6], [sflag:s23] =	dma.local [hbm:s4], s21  }
0x16: {  	_ =	swait.ge [sflag:s23], s21  }
0x17: {  	s2 =	ssub.s32 $0x0, s21;
	[sflag:s23] =	ssyncset.done $0x0  }
0x18: {  	[sflag:s23] =	ssyncadd.s32 s2;
	_ =	sdelay $0x1  }
0x19: {  	s24 =	simm.s32 $0x1B8B  }
0x1a: {  	_ =	swait.ge [sflag:s24], $0x1  }
0x1b: {  	[sflag:s24] =	ssyncset.done $0x0  }
0x1c: {  	s26 =	simm.s32 $0x1B8E;
	s25 =	sld [smem:$0x3FFE];
	[sflag:s24] =	ssyncadd.s32 $0xFFFFFFFF  }
0x1d: {  	s27 =	simm.s32 $execute0_lowered;
	[smem:$0x3FD2] =	sst s26  }
0x1e: {  	s4 =	sshll.u32 s27, $0x1;
	_ =	strace $0x80000046;
	[dreg:$0x1] =	wrdreg $0xFFFFFFFF  }
0x1f: {  	s28 =	simm.s32 $_size_execute0_lowered;
	s1 =	sadd.s32 s1, s4;
	[dreg:$0x0] =	wrdreg $0x0  }
0x20: {  	s4 =	sshll.u32 s28, $0x1;
	[dreg:$0x2] =	wrdreg s1  }
0x21: {  	[dreg:$0x3] =	wrdreg s4  }
0x22: {  	[dreg:$0x4] =	wrdreg $0xC0  }
0x23: {  	_ =	task [dreg:s6], $0x5FFFF  }
0x24: {  	[dreg:$0x1] =	wrdreg $0xFFFFFFFF  }
0x25: {  	[dreg:$0x0] =	wrdreg $0x60  }
0x26: {  	[dreg:$0x2] =	wrdreg s25  }
0x27: {  	[dreg:$0x3] =	wrdreg $0x9  }
0x28: {  	_ =	task.clear_ibuf [dreg:s6], $0x4FFFF;
	_ =	strace $0x90000046  }
0x29: {  	s29 =	simm.s32 $0x9;
	_ =	strace $0x80000048  }
0x2a: {  	_ =	swait.ge [sflag:s29], $0x1  }
0x2b: {  	[sflag:s29] =	ssyncadd.s32 $0xFFFFFFFF  }
0x2c: {  	_ =	strace $0x90000048  }
0x2d: {  	_ =	sfence  }
0x2e: {  	s30 =	sld [smem:$0x0];
	_ =	sdelay $0x2  }
0x2f: {  	s31 =	sshll.u32 s3, $0xD;
	s3 =	sshrl.u32 s3, $0x2  }
0x30: {  	s2 =	sand.u32 $0x4000, s31;
	s1 =	sadd.s32 s3, s30  }
0x31: {  	s0 =	sor.u32 s2, s0;
	s1 =	sshll.u32 s1, $0x11  }
0x32: {  	s0 =	sor.u32 s1, s0  }
0x33: {  	s0 =	sadd.s32 $0x8F2B, s0  }
0x34: {  	[sflag:s0] =	ssyncadd.remote.s32 $0x1  }
0x35: {  	_ =	sfence.sel $0xFFFF  }
0x36: {  	[dreg:$0x0] =	wrdreg $0xFFFFFFFF;
	(pc) =	sbr.abs _section_cstart, $3  }
0x37: {  	[dreg:$0x1] =	wrdreg $0xFFFFFFFF  }
0x38: {  	_ =	task.clear_ibuf [dreg:s6], $0x2FFFF;
	_ =	strace $0x9FFFFFFF  }
0x39: {  	(tm) =	ssettm $0x7FFFFFFF  }
tec
execute0_lowered:
.L_overlay_start_1:
0x0: {  	(tag) =	ssettag $0x1  }
0x1: {  	s5 =	rddreg [dreg:$0x0]  }
0x2: {  	s0 =	stileid.u32;
	s1 =	rddreg [dreg:$0x1]  }
0x3: {  	_ =	strace $0x80000047;
	s4 =	srdreg.scid;
	s31 =	simm.s32 $0x2  }
0x4: {  	s14 =	simm.s32 $0x0;
	s16 =	simm.s32 $0x0;
	s17 =	simm.s32 $0x0  }
0x5: {  	s15 =	simm.s32 $0x0;
	s12 =	simm.s32 $0x0;
	s6 =	sshll.u32 s0, $0x7  }
0x6: {  	s13 =	simm.s32 $0x0;
	s3 =	sand.u32 $0xE, s0;
	s2 =	sand.u32 $0x80, s6  }
0x7: {  	s4 =	sshll.u32 s4, $0x7;
	s27 =	sshll.u32 s0, $0x8;
	s8 =	ssub.s32 $0x100, s2  }
0x8: {  	s4 =	sand.u32 $0x80, s4;
	s10 =	ssub.s32 $0x10, s3;
	s9 =	sshrl.u32 s8, $0x7  }
0x9: {  	s11 =	sand.u32 $0xE, s10;
	s8 =	sshrl.u32 s8, $0x8;
	s9 =	sand.u32 $0x1, s9  }
0xa: {  	p0 =	sne.s32 s11, $0x0;
	s8 =	sadd.s32 s8, s9;
	s9 =	simm.s32 $0x1  }
0xb: {  	s10 =	sshrl.u32 s10, $0x4;
	s25 =	ssub.s32 $0x100, s4;
	s9 =	simm.s32 @!p0 $0x0  }
0xc: {  	s6 =	sand.u32 $0x300, s6;
	s11 =	sshrl.u32 s25, $0x7;
	s9 =	sadd.s32 s9, s10  }
0xd: {  	s26 =	sshrl.u32 s25, $0x8;
	s11 =	sand.u32 $0x1, s11;
	s8 =	smul.u32 s9, s8  }
0xe: {  	s7 =	sshll.u32 s2, $0x8;
	s28 =	sshll.u32 s4, $0x3;
	s10 =	sadd.s32 s26, s11  }
0xf: {  	s29 =	sadd.s32 s7, s5;
	s9 =	sand.u32 $0x800, s27;
	s8 =	smul.u32 s10, s8  }
.Ltmp0:
0x10: {  	s5 =	sadd.s32 $0x141E00, s5;
	s9 =	sor.u32 s9, s28;
	(pc) =	sbr.rel .LBB1_1-.Ltmp0, $4  }
0x11: {  	p0 =	por $0x0, $0x0;
	s11 =	simm.s32 $0x800;
	s9 =	sor.u32 s6, s9  }
0x12: {  	s6 =	simm.s32 $0x1;
	s30 =	sshrl.u32 s9, $0x4;
	s7 =	smul.u32 $0x14, s8  }
0x13: {  	s10 =	simm.s32 $0x80;
	[sflag:s6] =	ssyncpa.u1 $0x0;
	s8 =	sadd.s32 s30, s29  }
0x14: {  	[sflag:s31] =	ssyncpa.u1 $0x0;
	s8 =	sadd.s32 $0x1E00, s8;
	s9 =	sor.u32 $0x1, s7  }
.LBB1_4:
0x15: {  	v5 =	vld [tilespmem:s21+$0xFFFFFFD0];
	[tilespmem:s20+$0x2040 ss:$0x81] =	vst.msk $0xffff, v1  }
0x16: {  	v58 =	vld [tilespmem:s21+$0xFFFFFFE0];
	[tilespmem:s20+$0x2850 ss:$0x81] =	vst.msk $0xffff, v2  }
0x17: {  	s22 =	sshra.s32 s22, $0x2;
	v59 =	vld [tilespmem:s21+$0xFFFFFFF0];
	[tilespmem:s20+$0x3060 ss:$0x81] =	vst.msk $0xffff, v3  }
0x18: {  	v60 =	vld [tilespmem:s21+$0x0];
	[tilespmem:s20+$0x0 ss:$0x81] =	vst.msk $0xffff, v0;
	s19 =	sadd.s32 s22, s19  }
0x19: {  	v61 =	vld [tilespmem:s21+$0x10];
	[tilespmem:s19+$0x3870 ss:$0x81] =	vst.msk $0xffff, v4  }
0x1a: {  	v62 =	vld [tilespmem:s21+$0x20];
	s30 =	sshll.u32 s16, $0x8;
	[tilespmem:s19+$0x810 ss:$0x81] =	vst.msk $0xffff, v5  }
0x1b: {  	v63 =	vld [tilespmem:s21+$0xFFFFFFC0];
	s17 =	sshll.u32 s17, $0x3;
	s31 =	sshll.u32 s16, $0x7;
	s20 =	sand.u32 $0x800, s30;
	[tilespmem:s19+$0x1020 ss:$0x81] =	vst.msk $0xffff, v58  }
0x1c: {  	s16 =	sand.u32 $0x300, s31;
	s17 =	sor.u32 s17, s20;
	[tilespmem:s19+$0x1830 ss:$0x81] =	vst.msk $0xffff, v59  }
0x1d: {  	s15 =	sshll.u32 s15, $0x10;
	s16 =	sor.u32 s16, s17;
	[tilespmem:s19+$0x2040 ss:$0x81] =	vst.msk $0xffff, v60  }
0x1e: {  	s14 =	sshll.u32 s14, $0x8;
	s15 =	sadd.s32 s5, s15;
	s16 =	sshrl.u32 s16, $0x4;
	[tilespmem:s19+$0x2850 ss:$0x81] =	vst.msk $0xffff, v61  }
0x1f: {  	s14 =	sadd.s32 s14, s15;
	[tilespmem:s19+$0x3060 ss:$0x81] =	vst.msk $0xffff, v62;
	s16 =	sand.u32 $0xF0, s16  }
0x20: {  	[tilespmem:s19+$0x0 ss:$0x81] =	vst.msk $0xffff, v63;
	s14 =	sadd.s32 s16, s14  }
0x21: {  	[hbm4b:s14+s10] =	stream.strided.scatter [tilespmem:s18], [sflag:$0x2], $0x4000, s11, s10, $0x20;
	[tilespmem:$0x10100] =	vst v63  }
.LBB1_5:
0x22: {  	s18 =	sadd.s32 $0x1, s12  }
0x23: {  	p2 =	sgt.s32 s18, $0x13  }
0x24: {  	s18 =	simm.s32 @p2 $0x0;
	p2 =	sne.s32 s13, s9  }
.Ltmp1:
0x25: {  	p1 =	slt.u32 s13, $0x2;
	(pc) =	sbr.rel @!p2 .LBB1_6-.Ltmp1, $4  }
0x26: {  	s19 =	sadd.s32 $0x1, s13;
	s15 =	smov.u32 s12;
	s14 =	simm.s32 @!p1 $0x2  }
0x27: {  	p0 =	por !p0, !p0;
	s16 =	smov.u32 s3;
	_ =	swait.ge @!p1 [sflag:s14], $0x4000  }
0x28: {  	s17 =	smov.u32 s2;
	s13 =	smov.u32 s19;
	[sflag:s14] =	ssyncset.done @!p1 $0x0  }
0x29: {  	s12 =	smov.u32 s18;
	[sflag:s14] =	ssyncadd.s32 @!p1 $0xFFFFC000;
	s14 =	smov.u32 s4  }
.LBB1_1:
0x2a: {  	p1 =	sge.u32 s13, s7  }
0x2b: {  	s31 =	sadd.s32 $0xFFFFFFFF, s13;
	s18 =	sxor.u32 @!p1 $0xFFFFFFFF, s13  }
0x2c: {  	s19 =	sshll.u32 @!p1 s12, $0x10;
	s20 =	simm.s32 @!p1 $0x80;
	s18 =	sshll.u32 @!p1 s18, $0xE  }
0x2d: {  	s21 =	simm.s32 @!p1 $0x800;
	s19 =	sadd.s32 @!p1 s19, s8;
	s18 =	sand.u32 @!p1 $0x4000, s18  }
0x2e: {  	[tilespmem:s18], [sflag:$0x1] =	stream.strided.gather @!p1 [hbm4b:s19+s20], $0x4000, s21, s20, $0x38;
	[tilespmem:$0x10100] =	vst v63  }
0x2f: {  	p1 =	sge.u32 s31, s7  }
.Ltmp2:
0x30: {  	_ = 	snop;
	(pc) =	sbr.rel @p1 .LBB1_5-.Ltmp2, $1  }
0x31: {  	_ =	sdelay $0x3  }
0x32: {  	s18 =	simm.s32 $0x1  }
0x33: {  	_ =	swait.ge [sflag:s6], $0x4000;
	s18 =	simm.s32 @!p0 $0x0  }
0x34: {  	[sflag:s6] =	ssyncset.done $0x0;
	s19 =	sshll.u32 s18, $0xE  }
0x35: {  	[sflag:s6] =	ssyncadd.s32 $0xFFFFC000;
	s21 =	sor.u32 $0x40, s19  }
0x36: {  	s18 =	smul.u32 $0x10200, s18;
	v0 =	vld [tilespmem:s21+$0x30]  }
0x37: {  	v3 =	vld [tilespmem:s21+$0xFFFFFFD0]  }
0x38: {  	s18 =	sshrl.u32 s18, $0x2;
	v4 =	vld [tilespmem:s21+$0xFFFFFFE0]  }
0x39: {  	v5 =	vld [tilespmem:s21+$0xFFFFFFF0];
	s19 =	sor.u32 $0x8000, s18  }
0x3a: {  	s31 =	sand.u32 $0x1, s13;
	v1 =	vld [tilespmem:s21+$0x0];
	s20 =	sadd.s32 $0x0, s19  }
0x3b: {  	v2 =	vld [tilespmem:s21+$0x10];
	s18 =	smul.u32 $0x10200, s31;
	[tilespmem:s20+$0x3870 ss:$0x81] =	vst.msk $0xffff, v0  }
0x3c: {  	[tilespmem:s20+$0x810 ss:$0x81] =	vst.msk $0xffff, v3;
	v3 =	vld [tilespmem:s21+$0x20]  }
0x3d: {  	s18 =	sshrl.u32 s18, $0x2;
	v0 =	vld [tilespmem:s21+$0xFFFFFFC0];
	[tilespmem:s20+$0x1020 ss:$0x81] =	vst.msk $0xffff, v4;
	s21 =	sadd.s32 $0x80, s21  }
0x3e: {  	s22 =	simm.s32 $0x4;
	s23 =	simm.s32 $0x8;
	s18 =	sor.u32 $0x8000, s18;
	[tilespmem:s20+$0x1830 ss:$0x81] =	vst.msk $0xffff, v5;
	v4 =	vld [tilespmem:s21+$0x30]  }
.LBB1_3:
0x3f: {  	p1 =	sne.s32 s23, $0x1FC;
	v5 =	vld [tilespmem:s21+$0xFFFFFFD0];
	[tilespmem:s20+$0x2040 ss:$0x81] =	vst.msk $0xffff, v1  }
0x40: {  	v6 =	vld [tilespmem:s21+$0xFFFFFFE0];
	[tilespmem:s20+$0x2850 ss:$0x81] =	vst.msk $0xffff, v2  }
0x41: {  	s24 =	sshra.s32 s22, $0x2;
	s22 =	smov.u32 s23;
	v7 =	vld [tilespmem:s21+$0xFFFFFFF0];
	[tilespmem:s20+$0x3060 ss:$0x81] =	vst.msk $0xffff, v3  }
.Ltmp3:
0x42: {  	v1 =	vld [tilespmem:s21+$0x0];
	[tilespmem:s20+$0x0 ss:$0x81] =	vst.msk $0xffff, v0;
	s20 =	sadd.s32 s24, s19;
	(pc) =	sbr.rel @p1 .LBB1_3-.Ltmp3, $4  }
0x43: {  	v2 =	vld [tilespmem:s21+$0x10];
	[tilespmem:s20+$0x3870 ss:$0x81] =	vst.msk $0xffff, v4  }
0x44: {  	[tilespmem:s20+$0x810 ss:$0x81] =	vst.msk $0xffff, v5;
	v3 =	vld [tilespmem:s21+$0x20]  }
0x45: {  	v0 =	vld [tilespmem:s21+$0xFFFFFFC0];
	[tilespmem:s20+$0x1020 ss:$0x81] =	vst.msk $0xffff, v6;
	s21 =	sadd.s32 $0x80, s21  }
0x46: {  	s23 =	sadd.s32 $0x4, s23;
	v4 =	vld [tilespmem:s21+$0x30];
	[tilespmem:s20+$0x1830 ss:$0x81] =	vst.msk $0xffff, v7  }
.Ltmp4:
0x47: {  	_ = 	snop;
	(pc) =	sbr.rel .LBB1_4-.Ltmp4, $1  }
0x48: {  	_ =	sdelay $0x3  }
.LBB1_6:
0x49: {  	_ =	sfence.sel $0x180000  }
0x4a: {  	s2 =	simm.s32 $0x1;
	[bflag:$0x0] =	sbarrier.arrive $0xFFFF  }
0x4b: {  	s31 =	simm.s32 $0x2;
	[sflag:s2] =	ssyncpa.u1 $0x1  }
0x4c: {  	[sflag:s31] =	ssyncpa.u1 $0x1  }
0x4d: {  	p0 =	sne.s32 s0, $0x0;
	_ =	strace $0x90000047  }
0x4e: {  	s0 =	sadd.s32 @!p0 $0x100000, s1;
	[bflag:$0x2] =	sbarrier.arrive $0xFFFF  }
0x4f: {  	[sflag:s0] =	ssyncadd.tile.s32 @!p0 $0x1;
	_ =	shalt  }
.Lfunc_end1:
_tile_overlayer_lowered:
.L_overlay_start_2:
0x50: {  	(tag) =	ssettag $0x2  }
0x51: {  	s0 =	rddreg [dreg:$0x0];
	s2 =	stileid.u32  }
0x52: {  	s1 =	rddreg [dreg:$0x1];
	p0 =	sne.s32 s2, $0x0  }
0x53: {  	s3 =	rddreg [dreg:$0x2];
	[bflag:$0x3] =	sbarrier.arrive $0xFFFF;
	s2 =	simm.s32 @!p0 $0x1C01  }
0x54: {  	[timem:s3], [sflag:s2] =	dma.local @!p0 [hbm:s0], s1  }
0x55: {  	s0 =	simm.s32 @!p0 $0x1  }
0x56: {  	_ =	swait.ge @!p0 [sflag:s0], s1  }
0x57: {  	s1 =	ssub.s32 @!p0 $0x0, s1;
	[sflag:s0] =	ssyncset.done @!p0 $0x0  }
0x58: {  	[sflag:s0] =	ssyncadd.s32 @!p0 s1  }
0x59: {  	[bflag:$0x3] =	sbarrier.arrive $0xFFFF  }
0x5a: {  	_ =	shalt  }

</sc_bundles>
